<compile_context>
chip_gen: v7x
topology: tpu7x:2x2x1
jax: 0.10.2.dev20260603
libtpu: 0.0.44.dev20260713+nightly
codegen_flags: <defaults>
</compile_context>

<pallas_src>
import functools
import math

import jax
import jax.numpy as jnp
from jax import lax
from jax.experimental import pallas as pl
from jax.experimental.pallas import tpu as pltpu
from jax.experimental.pallas import tpu_sc as plsc

N = 32768
D_ATTR = 16
HID = 64
B = 16
EPS = 1e-6
LN_EPS = math.log(1e-6)
LN2 = math.log(2.0)

BLK = 16384
NB = N // BLK

NS = 16
LANES = 16
CHUNK = N // NS
NVEC = CHUNK // LANES


def _node_grad_body(post_ref, attrt_ref, w1_ref, b1_ref, w2_ref, gs_ref):
    w1 = w1_ref[...]
    w1p = w1[0:3, :]
    w1a = w1[3:, :]
    b1c = jnp.transpose(b1_ref[...])
    pre_t = (lax.dot_general(w1p, post_ref[...], (((0,), (0,)), ((), ())),
                             preferred_element_type=jnp.float32)
             + lax.dot_general(w1a, attrt_ref[...],
                               (((0,), (0,)), ((), ())),
                               preferred_element_type=jnp.float32)
             + b1c)
    t = jnp.tanh(pre_t)
    u_t = (1.0 - t * t) * w2_ref[...]
    g_t = lax.dot_general(w1p, u_t, (((1,), (0,)), ((), ())),
                          preferred_element_type=jnp.float32)
    gs_ref[...] = jnp.sum(g_t * g_t, axis=0, keepdims=True)[None]


def _node_grads_squared(pos_t, attr_t, w1, b1r, w2):
    return pl.pallas_call(
        _node_grad_body,
        grid=(NB,),
        in_specs=[
            pl.BlockSpec((3, BLK), lambda i: (0, i)),
            pl.BlockSpec((D_ATTR, BLK), lambda i: (0, i)),
            pl.BlockSpec((3 + D_ATTR, HID), lambda i: (0, 0)),
            pl.BlockSpec((1, HID), lambda i: (0, 0)),
            pl.BlockSpec((HID, 1), lambda i: (0, 0)),
        ],
        out_specs=pl.BlockSpec((1, 1, BLK), lambda i: (i, 0, 0)),
        out_shape=jax.ShapeDtypeStruct((NB, 1, BLK), jnp.float32),
        compiler_params=pltpu.CompilerParams(
            dimension_semantics=("parallel",)),
    )(pos_t, attr_t, w1, b1r, w2)


def _log_f32(x):
    bits = lax.bitcast_convert_type(x, jnp.int32)
    e = lax.shift_right_logical(bits, 23) - 127
    mbits = (bits & 0x007FFFFF) | 0x3F800000
    m = lax.bitcast_convert_type(mbits, jnp.float32)
    big = m > 1.4142135
    m = jnp.where(big, m * 0.5, m)
    ef = (e + jnp.where(big, 1, 0)).astype(jnp.float32)
    s = (m - 1.0) / (m + 1.0)
    s2 = s * s
    poly = 1.0 + s2 * (1.0 / 3.0 + s2 * (1.0 / 5.0 + s2 * (1.0 / 7.0 + s2 * (1.0 / 9.0))))
    return ef * LN2 + 2.0 * s * poly


NSUB = 4
TBL = LANES * B


def _segment_bias_body(gs_hbm, bat_hbm, out_hbm, gs_v, bat_v, table_v, shared,
                       sem1, sem2):
    sid = lax.axis_index("s")
    cp1 = pltpu.async_copy(gs_hbm.at[pl.ds(sid * CHUNK, CHUNK)], gs_v, sem1)
    cp2 = pltpu.async_copy(bat_hbm.at[pl.ds(sid * CHUNK, CHUNK)], bat_v, sem2)

    def zstep(j, carry):
        table_v[pl.ds(j * LANES, LANES)] = jnp.zeros((LANES,), jnp.float32)
        return carry

    lax.fori_loop(0, NSUB * B, zstep, 0)
    lane_base = lax.iota(jnp.int32, LANES) * B
    cp1.wait()
    cp2.wait()

    def step(j, carry):
        for k in range(NSUB):
            jj = j * NSUB + k
            v = gs_v[pl.ds(jj * LANES, LANES)]
            seg = bat_v[pl.ds(jj * LANES, LANES)]
            plsc.addupdate_scatter(table_v, [k * TBL + lane_base + seg], v)
        return carry

    lax.fori_loop(0, NVEC // NSUB, step, 0)

    def rstep(j, acc):
        return acc + table_v[pl.ds(j * LANES, LANES)]

    acc = lax.fori_loop(1, NSUB * LANES, rstep, table_v[pl.ds(0, LANES)])
    table_v[pl.ds(0, LANES)] = acc
    pltpu.sync_copy(table_v.at[pl.ds(0, LANES)],
                    shared.at[pl.ds(sid * LANES, LANES)])

    plsc.subcore_barrier()

    @pl.when(sid == 0)
    def _finalize():
        pltpu.sync_copy(shared, table_v.at[pl.ds(0, NS * LANES)])
        total = table_v[pl.ds(0, LANES)]
        for r in range(1, NS):
            total = total + table_v[pl.ds(r * LANES, LANES)]
        bias = LN_EPS - _log_f32(total + EPS)
        table_v[pl.ds(0, B)] = bias
        pltpu.sync_copy(table_v.at[pl.ds(0, B)], out_hbm)


@functools.cache
def _segment_bias():
    return pl.kernel(
        _segment_bias_body,
        out_type=jax.ShapeDtypeStruct((B,), jnp.float32),
        mesh=plsc.VectorSubcoreMesh(core_axis_name="c", subcore_axis_name="s",
                                    num_cores=1, num_subcores=NS),
        compiler_params=pltpu.CompilerParams(needs_layout_passes=False),
        scratch_types=[
            pltpu.VMEM((CHUNK,), jnp.float32),
            pltpu.VMEM((CHUNK,), jnp.int32),
            pltpu.VMEM((NSUB * TBL,), jnp.float32),
            pltpu.VMEM_SHARED((NS * LANES,), jnp.float32),
            pltpu.SemaphoreType.DMA,
            pltpu.SemaphoreType.DMA,
        ],
    )


def kernel(positions, node_attrs, batch, W1, b1, W2):
    gs = _node_grads_squared(positions.T, node_attrs.T, W1,
                             b1.reshape(1, HID), W2)
    return _segment_bias()(gs.reshape(N), batch)

# --- scband reference (transcript-rebuilt; emitter-appended) ---
"""Pipeline reference for scband-kolmogorov-bias-10969346474889 (READ-ONLY COPY).

The authoritative reference and input builder live on the scoring server;
editing this copy changes nothing except your own understanding.
"""

import jax, jax.numpy as jnp
import numpy as np

N = 32768        # total atoms across batched graphs
D_ATTR = 16      # node attribute dim
HID = 64         # committor MLP hidden width
B = 16           # number of graphs (segments)
BETA = 1.0
EPS = 1e-06
LAMBD = 1.0


def setup_inputs(seed: int = 0) -> dict:
    key = jax.random.key(seed)
    k1, k2, k3, k4, k5 = jax.random.split(key, 5)
    positions = jax.random.normal(k1, (N, 3), dtype=jnp.float32)
    node_attrs = jax.random.uniform(k2, (N, D_ATTR), dtype=jnp.float32)
    batch = jnp.sort(jax.random.randint(k3, (N,), 0, B)).astype(jnp.int32)
    # learned committor-model parameters (surrogate GNN-style per-node MLP + graph readout)
    W1 = jax.random.normal(k4, (3 + D_ATTR, HID), dtype=jnp.float32) / np.sqrt(3 + D_ATTR)
    b1 = jnp.zeros((HID,), dtype=jnp.float32)
    W2 = jax.random.normal(k5, (HID, 1), dtype=jnp.float32) / np.sqrt(HID)
    return {"positions": positions, "node_attrs": node_attrs, "batch": batch,
            "W1": W1, "b1": b1, "W2": W2}


def reference(positions, node_attrs, batch, W1, b1, W2):
    # committor q(graph): per-node MLP on [positions, node_attrs], summed per graph
    def committor(pos):
        h = jnp.concatenate([pos, node_attrs], axis=1)
        h = jnp.tanh(h @ W1 + b1)
        per_node = (h @ W2)[:, 0]                       # [N]
        q = jax.ops.segment_sum(per_node, batch, num_segments=B)  # [B]
        return q

    q, vjp_fn = jax.vjp(committor, positions)
    grad_outputs = jnp.ones_like(q)                      # torch.ones_like(q)
    grads = vjp_fn(grad_outputs)[0]                      # dq/dpositions, [N, 3]
    grads_squared = jnp.sum(jnp.power(grads, 2), axis=1) # [N]
    # scatter_sum over batch (segment reduce) -> per-graph |grad|^2
    grads_squared = jax.ops.segment_sum(grads_squared, batch, num_segments=B)  # [B]
    bias = -LAMBD * (1.0 / BETA) * (jnp.log(grads_squared + EPS) - jnp.log(EPS))
    return bias

if __name__ == "__main__":
    import jax
    _d = setup_inputs()
    print(jax.jit(kernel)(*tuple(_d.values())))

</pallas_src>

<mosaic_0001>
#map = affine_map<(d0, d1) -> (0)>
module attributes {stable_mosaic.version = 14 : i64} {
  func.func @_segment_bias_body(%arg0: i32, %arg1: i32, %arg2: memref<32768xf32, #tpu.memory_space<hbm>>, %arg3: memref<32768xi32, #tpu.memory_space<hbm>>, %arg4: memref<16xf32, #tpu.memory_space<hbm>>, %arg5: memref<2048xf32, #tpu.memory_space<vmem>>, %arg6: memref<2048xi32, #tpu.memory_space<vmem>>, %arg7: memref<1024xf32, #tpu.memory_space<vmem>>, %arg8: memref<256xf32, #tpu.memory_space<vmem_shared>>, %arg9: memref<!tpu.dma_semaphore, #tpu.memory_space<semaphore_mem>>, %arg10: memref<!tpu.dma_semaphore, #tpu.memory_space<semaphore_mem>>) attributes {dimension_semantics = [#tpu.dimension_semantics<core_parallel>, #tpu.dimension_semantics<subcore_parallel>], iteration_bounds = array<i64: 1, 16>, scalar_prefetch = 0 : i64, scratch_operands = 6 : i64, tpu.core_type = #tpu.core_type<sc_vector_subcore>, window_params = [{transform_indices = #map}, {transform_indices = #map}, {transform_indices = #map}]} {
    %mul3A = arith.constant 2048 : i32
    %mul3A_0 = arith.muli %arg1, %mul3A : i32
    %dma_start3A = tpu.memref_slice %arg2[%mul3A_0] : memref<32768xf32, #tpu.memory_space<hbm>> -> memref<2048xf32, #tpu.memory_space<hbm>>
    %dma_start3A_1 = tpu.memref_slice %arg2[%mul3A_0] : memref<32768xf32, #tpu.memory_space<hbm>> -> memref<2048xf32, #tpu.memory_space<hbm>>
    tpu.enqueue_dma source(%dma_start3A_1 : memref<2048xf32, #tpu.memory_space<hbm>>) target(%arg5 : memref<2048xf32, #tpu.memory_space<vmem>>) target_semaphore(%arg9 : memref<!tpu.dma_semaphore, #tpu.memory_space<semaphore_mem>>)
    %mul3A_2 = arith.constant 2048 : i32
    %mul3A_3 = arith.muli %arg1, %mul3A_2 : i32
    %dma_start3A_4 = tpu.memref_slice %arg3[%mul3A_3] : memref<32768xi32, #tpu.memory_space<hbm>> -> memref<2048xi32, #tpu.memory_space<hbm>>
    %dma_start3A_5 = tpu.memref_slice %arg3[%mul3A_3] : memref<32768xi32, #tpu.memory_space<hbm>> -> memref<2048xi32, #tpu.memory_space<hbm>>
    tpu.enqueue_dma source(%dma_start3A_5 : memref<2048xi32, #tpu.memory_space<hbm>>) target(%arg6 : memref<2048xi32, #tpu.memory_space<vmem>>) target_semaphore(%arg10 : memref<!tpu.dma_semaphore, #tpu.memory_space<semaphore_mem>>)
    %scan3A = arith.constant 0 : i32
    %scan3A_6 = arith.constant 0 : i32
    %scan3A_7 = arith.constant 64 : i32
    %scan3A_8 = arith.addi %scan3A_6, %scan3A_7 : i32
    %scan3A_9 = arith.constant 1 : i32
    scf.for %scan3A_35 = %scan3A_6 to %scan3A_8 step %scan3A_9  : i32 {
      %broadcast_in_dim3A = arith.constant 0.000000e+00 : f32
      %broadcast_in_dim3A_36 = vector.broadcast %broadcast_in_dim3A : f32 to vector<16xf32>
      %mul3A_37 = arith.constant 16 : i32
      %mul3A_38 = arith.muli %scan3A_35, %mul3A_37 : i32
      %swap3A_39 = arith.index_cast %mul3A_38 : i32 to index
      %swap3A_40 = tpu.vector_load %arg7[%swap3A_39] {strides = array<i32>} : memref<1024xf32, #tpu.memory_space<vmem>>, vector<16xf32>,
      tpu.vector_store %arg7[%swap3A_39], %broadcast_in_dim3A_36 {strides = array<i32>} : memref<1024xf32, #tpu.memory_space<vmem>>, vector<16xf32>,
    }
    %scan3A_10 = arith.constant 64 : i32
    %iota3A = tpu.iota {dimensions = array<i32: 0>} : vector<16xi32>
    %mul3A_11 = arith.constant 16 : i32
    %mul3A_12 = vector.broadcast %mul3A_11 : i32 to vector<16xi32>
    %mul3A_13 = arith.muli %iota3A, %mul3A_12 : vector<16xi32>
    %dma_wait3A = tpu.memref_slice %arg2[%mul3A_0] : memref<32768xf32, #tpu.memory_space<hbm>> -> memref<2048xf32, #tpu.memory_space<hbm>>
    %dma_wait3A_14 = tpu.memref_slice %arg2[%mul3A_0] : memref<32768xf32, #tpu.memory_space<hbm>> -> memref<2048xf32, #tpu.memory_space<hbm>>
    tpu.wait_dma2 semaphore(%arg9 : memref<!tpu.dma_semaphore, #tpu.memory_space<semaphore_mem>>) src(%dma_wait3A_14 : memref<2048xf32, #tpu.memory_space<hbm>>) dst(%arg5 : memref<2048xf32, #tpu.memory_space<vmem>>)
    %dma_wait3A_15 = tpu.memref_slice %arg3[%mul3A_3] : memref<32768xi32, #tpu.memory_space<hbm>> -> memref<2048xi32, #tpu.memory_space<hbm>>
    %dma_wait3A_16 = tpu.memref_slice %arg3[%mul3A_3] : memref<32768xi32, #tpu.memory_space<hbm>> -> memref<2048xi32, #tpu.memory_space<hbm>>
    tpu.wait_dma2 semaphore(%arg10 : memref<!tpu.dma_semaphore, #tpu.memory_space<semaphore_mem>>) src(%dma_wait3A_16 : memref<2048xi32, #tpu.memory_space<hbm>>) dst(%arg6 : memref<2048xi32, #tpu.memory_space<vmem>>)
    %scan3A_17 = arith.constant 0 : i32
    %scan3A_18 = arith.constant 0 : i32
    %scan3A_19 = arith.constant 32 : i32
    %scan3A_20 = arith.addi %scan3A_18, %scan3A_19 : i32
    %scan3A_21 = arith.constant 1 : i32
    scf.for %scan3A_35 = %scan3A_18 to %scan3A_20 step %scan3A_21  : i32 {
      %mul3A_36 = arith.constant 4 : i32
      %mul3A_37 = arith.muli %scan3A_35, %mul3A_36 : i32
      %add3A = arith.constant 0 : i32
      %add3A_38 = arith.addi %mul3A_37, %add3A : i32
      %mul3A_39 = arith.constant 16 : i32
      %mul3A_40 = arith.muli %add3A_38, %mul3A_39 : i32
      %get3A_41 = arith.index_cast %mul3A_40 : i32 to index
      %get3A_42 = tpu.vector_load %arg5[%get3A_41] {strides = array<i32>} : memref<2048xf32, #tpu.memory_space<vmem>>, vector<16xf32>,
      %mul3A_43 = arith.constant 16 : i32
      %mul3A_44 = arith.muli %add3A_38, %mul3A_43 : i32
      %get3A_45 = arith.index_cast %mul3A_44 : i32 to index
      %get3A_46 = tpu.vector_load %arg6[%get3A_45] {strides = array<i32>} : memref<2048xi32, #tpu.memory_space<vmem>>, vector<16xi32>,
      %add3A_47 = arith.constant 0 : i32
      %add3A_48 = vector.broadcast %add3A_47 : i32 to vector<16xi32>
      %add3A_49 = arith.addi %add3A_48, %mul3A_13 : vector<16xi32>
      %add3A_50 = arith.addi %add3A_49, %get3A_46 : vector<16xi32>
      tpu.vector_store_idx %arg7[%add3A_50], %get3A_42 {add = true} : memref<1024xf32, #tpu.memory_space<vmem>>[vector<16xi32>], vector<16xf32>,
      %mul3A_51 = arith.constant 4 : i32
      %mul3A_52 = arith.muli %scan3A_35, %mul3A_51 : i32
      %add3A_53 = arith.constant 1 : i32
      %add3A_54 = arith.addi %mul3A_52, %add3A_53 : i32
      %mul3A_55 = arith.constant 16 : i32
      %mul3A_56 = arith.muli %add3A_54, %mul3A_55 : i32
      %get3A_57 = arith.index_cast %mul3A_56 : i32 to index
      %get3A_58 = tpu.vector_load %arg5[%get3A_57] {strides = array<i32>} : memref<2048xf32, #tpu.memory_space<vmem>>, vector<16xf32>,
      %mul3A_59 = arith.constant 16 : i32
      %mul3A_60 = arith.muli %add3A_54, %mul3A_59 : i32
      %get3A_61 = arith.index_cast %mul3A_60 : i32 to index
      %get3A_62 = tpu.vector_load %arg6[%get3A_61] {strides = array<i32>} : memref<2048xi32, #tpu.memory_space<vmem>>, vector<16xi32>,
      %add3A_63 = arith.constant 256 : i32
      %add3A_64 = vector.broadcast %add3A_63 : i32 to vector<16xi32>
      %add3A_65 = arith.addi %add3A_64, %mul3A_13 : vector<16xi32>
      %add3A_66 = arith.addi %add3A_65, %get3A_62 : vector<16xi32>
      tpu.vector_store_idx %arg7[%add3A_66], %get3A_58 {add = true} : memref<1024xf32, #tpu.memory_space<vmem>>[vector<16xi32>], vector<16xf32>,
      %mul3A_67 = arith.constant 4 : i32
      %mul3A_68 = arith.muli %scan3A_35, %mul3A_67 : i32
      %add3A_69 = arith.constant 2 : i32
      %add3A_70 = arith.addi %mul3A_68, %add3A_69 : i32
      %mul3A_71 = arith.constant 16 : i32
      %mul3A_72 = arith.muli %add3A_70, %mul3A_71 : i32
      %get3A_73 = arith.index_cast %mul3A_72 : i32 to index
      %get3A_74 = tpu.vector_load %arg5[%get3A_73] {strides = array<i32>} : memref<2048xf32, #tpu.memory_space<vmem>>, vector<16xf32>,
      %mul3A_75 = arith.constant 16 : i32
      %mul3A_76 = arith.muli %add3A_70, %mul3A_75 : i32
      %get3A_77 = arith.index_cast %mul3A_76 : i32 to index
      %get3A_78 = tpu.vector_load %arg6[%get3A_77] {strides = array<i32>} : memref<2048xi32, #tpu.memory_space<vmem>>, vector<16xi32>,
      %add3A_79 = arith.constant 512 : i32
      %add3A_80 = vector.broadcast %add3A_79 : i32 to vector<16xi32>
      %add3A_81 = arith.addi %add3A_80, %mul3A_13 : vector<16xi32>
      %add3A_82 = arith.addi %add3A_81, %get3A_78 : vector<16xi32>
      tpu.vector_store_idx %arg7[%add3A_82], %get3A_74 {add = true} : memref<1024xf32, #tpu.memory_space<vmem>>[vector<16xi32>], vector<16xf32>,
      %mul3A_83 = arith.constant 4 : i32
      %mul3A_84 = arith.muli %scan3A_35, %mul3A_83 : i32
      %add3A_85 = arith.constant 3 : i32
      %add3A_86 = arith.addi %mul3A_84, %add3A_85 : i32
      %mul3A_87 = arith.constant 16 : i32
      %mul3A_88 = arith.muli %add3A_86, %mul3A_87 : i32
      %get3A_89 = arith.index_cast %mul3A_88 : i32 to index
      %get3A_90 = tpu.vector_load %arg5[%get3A_89] {strides = array<i32>} : memref<2048xf32, #tpu.memory_space<vmem>>, vector<16xf32>,
      %mul3A_91 = arith.constant 16 : i32
      %mul3A_92 = arith.muli %add3A_86, %mul3A_91 : i32
      %get3A_93 = arith.index_cast %mul3A_92 : i32 to index
      %get3A_94 = tpu.vector_load %arg6[%get3A_93] {strides = array<i32>} : memref<2048xi32, #tpu.memory_space<vmem>>, vector<16xi32>,
      %add3A_95 = arith.constant 768 : i32
      %add3A_96 = vector.broadcast %add3A_95 : i32 to vector<16xi32>
      %add3A_97 = arith.addi %add3A_96, %mul3A_13 : vector<16xi32>
      %add3A_98 = arith.addi %add3A_97, %get3A_94 : vector<16xi32>
      tpu.vector_store_idx %arg7[%add3A_98], %get3A_90 {add = true} : memref<1024xf32, #tpu.memory_space<vmem>>[vector<16xi32>], vector<16xf32>,
    }
    %scan3A_22 = arith.constant 32 : i32
    %get3A = arith.constant 0 : index
    %get3A_23 = tpu.vector_load %arg7[%get3A] {strides = array<i32>} : memref<1024xf32, #tpu.memory_space<vmem>>, vector<16xf32>,
    %scan3A_24 = arith.constant 1 : i32
    %scan3A_25 = arith.constant 63 : i32
    %scan3A_26 = arith.addi %scan3A_24, %scan3A_25 : i32
    %scan3A_27 = arith.constant 1 : i32
    %scan3A_28 = scf.for %scan3A_35 = %scan3A_24 to %scan3A_26 step %scan3A_27 iter_args(%scan3A_36 = %get3A_23) -> (vector<16xf32>)  : i32 {
      %mul3A_37 = arith.constant 16 : i32
      %mul3A_38 = arith.muli %scan3A_35, %mul3A_37 : i32
      %get3A_39 = arith.index_cast %mul3A_38 : i32 to index
      %get3A_40 = tpu.vector_load %arg7[%get3A_39] {strides = array<i32>} : memref<1024xf32, #tpu.memory_space<vmem>>, vector<16xf32>,
      %add3A = arith.addf %scan3A_36, %get3A_40 : vector<16xf32>
      scf.yield %add3A : vector<16xf32>
    }
    %scan3A_29 = arith.constant 63 : i32
    %swap3A = arith.constant 0 : index
    %swap3A_30 = tpu.vector_load %arg7[%swap3A] {strides = array<i32>} : memref<1024xf32, #tpu.memory_space<vmem>>, vector<16xf32>,
    tpu.vector_store %arg7[%swap3A], %scan3A_28 {strides = array<i32>} : memref<1024xf32, #tpu.memory_space<vmem>>, vector<16xf32>,
    %mul3A_31 = arith.constant 16 : i32
    %mul3A_32 = arith.muli %arg1, %mul3A_31 : i32
    "tpu.region"() ({
      %run_scoped3A = tpu.sem_alloc : memref<!tpu.dma_semaphore, #tpu.memory_space<semaphore_mem>>
      %dma_start3A_35 = arith.constant 0 : i32
      %dma_start3A_36 = tpu.memref_slice %arg7[%dma_start3A_35] : memref<1024xf32, #tpu.memory_space<vmem>> -> memref<16xf32, #tpu.memory_space<vmem>>
      %dma_start3A_37 = tpu.memref_slice %arg8[%mul3A_32] : memref<256xf32, #tpu.memory_space<vmem_shared>> -> memref<16xf32, #tpu.memory_space<vmem_shared>>
      %dma_start3A_38 = tpu.memref_slice %arg8[%mul3A_32] : memref<256xf32, #tpu.memory_space<vmem_shared>> -> memref<16xf32, #tpu.memory_space<vmem_shared>>
      %dma_start3A_39 = arith.constant 0 : i32
      %dma_start3A_40 = tpu.memref_slice %arg7[%dma_start3A_39] : memref<1024xf32, #tpu.memory_space<vmem>> -> memref<16xf32, #tpu.memory_space<vmem>>
      tpu.enqueue_dma source(%dma_start3A_40 : memref<16xf32, #tpu.memory_space<vmem>>) target(%dma_start3A_38 : memref<16xf32, #tpu.memory_space<vmem_shared>>) target_semaphore(%run_scoped3A : memref<!tpu.dma_semaphore, #tpu.memory_space<semaphore_mem>>)
      %dma_wait3A_41 = arith.constant 0 : i32
      %dma_wait3A_42 = tpu.memref_slice %arg7[%dma_wait3A_41] : memref<1024xf32, #tpu.memory_space<vmem>> -> memref<16xf32, #tpu.memory_space<vmem>>
      %dma_wait3A_43 = tpu.memref_slice %arg8[%mul3A_32] : memref<256xf32, #tpu.memory_space<vmem_shared>> -> memref<16xf32, #tpu.memory_space<vmem_shared>>
      %dma_wait3A_44 = tpu.memref_slice %arg8[%mul3A_32] : memref<256xf32, #tpu.memory_space<vmem_shared>> -> memref<16xf32, #tpu.memory_space<vmem_shared>>
      %dma_wait3A_45 = arith.constant 0 : i32
      %dma_wait3A_46 = tpu.memref_slice %arg7[%dma_wait3A_45] : memref<1024xf32, #tpu.memory_space<vmem>> -> memref<16xf32, #tpu.memory_space<vmem>>
      tpu.wait_dma2 semaphore(%run_scoped3A : memref<!tpu.dma_semaphore, #tpu.memory_space<semaphore_mem>>) src(%dma_wait3A_46 : memref<16xf32, #tpu.memory_space<vmem>>) dst(%dma_wait3A_44 : memref<16xf32, #tpu.memory_space<vmem_shared>>)
      tpu.yield
    }) : () -> ()
    %barrier3A = arith.constant 0 : index
    tpu.barrier barrier_id(%barrier3A)
    %eq3A = arith.constant 0 : i32
    %eq3A_33 = arith.cmpi eq, %arg1, %eq3A : i32
    %convert_element_type3A = arith.extui %eq3A_33 : i1 to i32
    %cond3A = arith.constant 0 : i32
    %cond3A_34 = arith.cmpi ne, %convert_element_type3A, %cond3A : i32
    scf.if %cond3A_34 {
      "tpu.region"() ({
        %run_scoped3A = tpu.sem_alloc : memref<!tpu.dma_semaphore, #tpu.memory_space<semaphore_mem>>
        %dma_start3A_141 = arith.constant 0 : i32
        %dma_start3A_142 = tpu.memref_slice %arg7[%dma_start3A_141] : memref<1024xf32, #tpu.memory_space<vmem>> -> memref<256xf32, #tpu.memory_space<vmem>>
        %dma_start3A_143 = arith.constant 0 : i32
        %dma_start3A_144 = tpu.memref_slice %arg7[%dma_start3A_143] : memref<1024xf32, #tpu.memory_space<vmem>> -> memref<256xf32, #tpu.memory_space<vmem>>
        tpu.enqueue_dma source(%arg8 : memref<256xf32, #tpu.memory_space<vmem_shared>>) target(%dma_start3A_144 : memref<256xf32, #tpu.memory_space<vmem>>) target_semaphore(%run_scoped3A : memref<!tpu.dma_semaphore, #tpu.memory_space<semaphore_mem>>)
        %dma_wait3A_145 = arith.constant 0 : i32
        %dma_wait3A_146 = tpu.memref_slice %arg7[%dma_wait3A_145] : memref<1024xf32, #tpu.memory_space<vmem>> -> memref<256xf32, #tpu.memory_space<vmem>>
        %dma_wait3A_147 = arith.constant 0 : i32
        %dma_wait3A_148 = tpu.memref_slice %arg7[%dma_wait3A_147] : memref<1024xf32, #tpu.memory_space<vmem>> -> memref<256xf32, #tpu.memory_space<vmem>>
        tpu.wait_dma2 semaphore(%run_scoped3A : memref<!tpu.dma_semaphore, #tpu.memory_space<semaphore_mem>>) src(%arg8 : memref<256xf32, #tpu.memory_space<vmem_shared>>) dst(%dma_wait3A_148 : memref<256xf32, #tpu.memory_space<vmem>>)
        tpu.yield
      }) : () -> ()
      %get3A_35 = arith.constant 0 : index
      %get3A_36 = tpu.vector_load %arg7[%get3A_35] {strides = array<i32>} : memref<1024xf32, #tpu.memory_space<vmem>>, vector<16xf32>,
      %get3A_37 = arith.constant 16 : index
      %get3A_38 = tpu.vector_load %arg7[%get3A_37] {strides = array<i32>} : memref<1024xf32, #tpu.memory_space<vmem>>, vector<16xf32>,
      %add3A = arith.addf %get3A_36, %get3A_38 : vector<16xf32>
      %get3A_39 = arith.constant 32 : index
      %get3A_40 = tpu.vector_load %arg7[%get3A_39] {strides = array<i32>} : memref<1024xf32, #tpu.memory_space<vmem>>, vector<16xf32>,
      %add3A_41 = arith.addf %add3A, %get3A_40 : vector<16xf32>
      %get3A_42 = arith.constant 48 : index
      %get3A_43 = tpu.vector_load %arg7[%get3A_42] {strides = array<i32>} : memref<1024xf32, #tpu.memory_space<vmem>>, vector<16xf32>,
      %add3A_44 = arith.addf %add3A_41, %get3A_43 : vector<16xf32>
      %get3A_45 = arith.constant 64 : index
      %get3A_46 = tpu.vector_load %arg7[%get3A_45] {strides = array<i32>} : memref<1024xf32, #tpu.memory_space<vmem>>, vector<16xf32>,
      %add3A_47 = arith.addf %add3A_44, %get3A_46 : vector<16xf32>
      %get3A_48 = arith.constant 80 : index
      %get3A_49 = tpu.vector_load %arg7[%get3A_48] {strides = array<i32>} : memref<1024xf32, #tpu.memory_space<vmem>>, vector<16xf32>,
      %add3A_50 = arith.addf %add3A_47, %get3A_49 : vector<16xf32>
      %get3A_51 = arith.constant 96 : index
      %get3A_52 = tpu.vector_load %arg7[%get3A_51] {strides = array<i32>} : memref<1024xf32, #tpu.memory_space<vmem>>, vector<16xf32>,
      %add3A_53 = arith.addf %add3A_50, %get3A_52 : vector<16xf32>
      %get3A_54 = arith.constant 112 : index
      %get3A_55 = tpu.vector_load %arg7[%get3A_54] {strides = array<i32>} : memref<1024xf32, #tpu.memory_space<vmem>>, vector<16xf32>,
      %add3A_56 = arith.addf %add3A_53, %get3A_55 : vector<16xf32>
      %get3A_57 = arith.constant 128 : index
      %get3A_58 = tpu.vector_load %arg7[%get3A_57] {strides = array<i32>} : memref<1024xf32, #tpu.memory_space<vmem>>, vector<16xf32>,
      %add3A_59 = arith.addf %add3A_56, %get3A_58 : vector<16xf32>
      %get3A_60 = arith.constant 144 : index
      %get3A_61 = tpu.vector_load %arg7[%get3A_60] {strides = array<i32>} : memref<1024xf32, #tpu.memory_space<vmem>>, vector<16xf32>,
      %add3A_62 = arith.addf %add3A_59, %get3A_61 : vector<16xf32>
      %get3A_63 = arith.constant 160 : index
      %get3A_64 = tpu.vector_load %arg7[%get3A_63] {strides = array<i32>} : memref<1024xf32, #tpu.memory_space<vmem>>, vector<16xf32>,
      %add3A_65 = arith.addf %add3A_62, %get3A_64 : vector<16xf32>
      %get3A_66 = arith.constant 176 : index
      %get3A_67 = tpu.vector_load %arg7[%get3A_66] {strides = array<i32>} : memref<1024xf32, #tpu.memory_space<vmem>>, vector<16xf32>,
      %add3A_68 = arith.addf %add3A_65, %get3A_67 : vector<16xf32>
      %get3A_69 = arith.constant 192 : index
      %get3A_70 = tpu.vector_load %arg7[%get3A_69] {strides = array<i32>} : memref<1024xf32, #tpu.memory_space<vmem>>, vector<16xf32>,
      %add3A_71 = arith.addf %add3A_68, %get3A_70 : vector<16xf32>
      %get3A_72 = arith.constant 208 : index
      %get3A_73 = tpu.vector_load %arg7[%get3A_72] {strides = array<i32>} : memref<1024xf32, #tpu.memory_space<vmem>>, vector<16xf32>,
      %add3A_74 = arith.addf %add3A_71, %get3A_73 : vector<16xf32>
      %get3A_75 = arith.constant 224 : index
      %get3A_76 = tpu.vector_load %arg7[%get3A_75] {strides = array<i32>} : memref<1024xf32, #tpu.memory_space<vmem>>, vector<16xf32>,
      %add3A_77 = arith.addf %add3A_74, %get3A_76 : vector<16xf32>
      %get3A_78 = arith.constant 240 : index
      %get3A_79 = tpu.vector_load %arg7[%get3A_78] {strides = array<i32>} : memref<1024xf32, #tpu.memory_space<vmem>>, vector<16xf32>,
      %add3A_80 = arith.addf %add3A_77, %get3A_79 : vector<16xf32>
      %add3A_81 = arith.constant 9.99999997E-7 : f32
      %add3A_82 = vector.broadcast %add3A_81 : f32 to vector<16xf32>
      %add3A_83 = arith.addf %add3A_80, %add3A_82 : vector<16xf32>
      %bitcast_convert_type3A = tpu.bitcast %add3A_83 : vector<16xf32> -> vector<16xi32>
      %shift_right_logical3A = arith.constant 23 : i32
      %shift_right_logical3A_84 = vector.broadcast %shift_right_logical3A : i32 to vector<16xi32>
      %shift_right_logical3A_85 = arith.shrui %bitcast_convert_type3A, %shift_right_logical3A_84 : vector<16xi32>
      %sub3A = arith.constant 127 : i32
      %sub3A_86 = vector.broadcast %sub3A : i32 to vector<16xi32>
      %sub3A_87 = arith.subi %shift_right_logical3A_85, %sub3A_86 : vector<16xi32>
      %and3A = arith.constant 8388607 : i32
      %and3A_88 = vector.broadcast %and3A : i32 to vector<16xi32>
      %and3A_89 = arith.andi %bitcast_convert_type3A, %and3A_88 : vector<16xi32>
      %or3A = arith.constant 1065353216 : i32
      %or3A_90 = vector.broadcast %or3A : i32 to vector<16xi32>
      %or3A_91 = arith.ori %and3A_89, %or3A_90 : vector<16xi32>
      %bitcast_convert_type3A_92 = tpu.bitcast %or3A_91 : vector<16xi32> -> vector<16xf32>
      %gt3A = arith.constant 1.41421354 : f32
      %gt3A_93 = vector.broadcast %gt3A : f32 to vector<16xf32>
      %gt3A_94 = arith.cmpf ogt, %bitcast_convert_type3A_92, %gt3A_93 : vector<16xf32>
      %mul3A_95 = arith.constant 5.000000e-01 : f32
      %mul3A_96 = vector.broadcast %mul3A_95 : f32 to vector<16xf32>
      %mul3A_97 = arith.mulf %bitcast_convert_type3A_92, %mul3A_96 : vector<16xf32>
      %select_n3A = arith.select %gt3A_94, %mul3A_97, %bitcast_convert_type3A_92 : vector<16xi1>, vector<16xf32>
      %jit3A = arith.constant 1 : i32
      %jit3A_98 = arith.constant 0 : i32
      %broadcast_in_dim3A = vector.broadcast %jit3A : i32 to vector<16xi32>
      %broadcast_in_dim3A_99 = vector.broadcast %jit3A_98 : i32 to vector<16xi32>
      %select_n3A_100 = arith.select %gt3A_94, %broadcast_in_dim3A, %broadcast_in_dim3A_99 : vector<16xi1>, vector<16xi32>
      %add3A_101 = arith.addi %sub3A_87, %select_n3A_100 : vector<16xi32>
      %convert_element_type3A_102 = arith.sitofp %add3A_101 : vector<16xi32> to vector<16xf32>
      %sub3A_103 = arith.constant 1.000000e+00 : f32
      %sub3A_104 = vector.broadcast %sub3A_103 : f32 to vector<16xf32>
      %sub3A_105 = arith.subf %select_n3A, %sub3A_104 : vector<16xf32>
      %add3A_106 = arith.constant 1.000000e+00 : f32
      %add3A_107 = vector.broadcast %add3A_106 : f32 to vector<16xf32>
      %add3A_108 = arith.addf %select_n3A, %add3A_107 : vector<16xf32>
      %div3A = arith.divf %sub3A_105, %add3A_108 : vector<16xf32>
      %mul3A_109 = arith.mulf %div3A, %div3A : vector<16xf32>
      %mul3A_110 = arith.constant 0.111111112 : f32
      %mul3A_111 = vector.broadcast %mul3A_110 : f32 to vector<16xf32>
      %mul3A_112 = arith.mulf %mul3A_109, %mul3A_111 : vector<16xf32>
      %add3A_113 = arith.constant 0.142857149 : f32
      %add3A_114 = vector.broadcast %add3A_113 : f32 to vector<16xf32>
      %add3A_115 = arith.addf %add3A_114, %mul3A_112 : vector<16xf32>
      %mul3A_116 = arith.mulf %mul3A_109, %add3A_115 : vector<16xf32>
      %add3A_117 = arith.constant 2.000000e-01 : f32
      %add3A_118 = vector.broadcast %add3A_117 : f32 to vector<16xf32>
      %add3A_119 = arith.addf %add3A_118, %mul3A_116 : vector<16xf32>
      %mul3A_120 = arith.mulf %mul3A_109, %add3A_119 : vector<16xf32>
      %add3A_121 = arith.constant 0.333333343 : f32
      %add3A_122 = vector.broadcast %add3A_121 : f32 to vector<16xf32>
      %add3A_123 = arith.addf %add3A_122, %mul3A_120 : vector<16xf32>
      %mul3A_124 = arith.mulf %mul3A_109, %add3A_123 : vector<16xf32>
      %add3A_125 = arith.constant 1.000000e+00 : f32
      %add3A_126 = vector.broadcast %add3A_125 : f32 to vector<16xf32>
      %add3A_127 = arith.addf %add3A_126, %mul3A_124 : vector<16xf32>
      %mul3A_128 = arith.constant 0.693147182 : f32
      %mul3A_129 = vector.broadcast %mul3A_128 : f32 to vector<16xf32>
      %mul3A_130 = arith.mulf %convert_element_type3A_102, %mul3A_129 : vector<16xf32>
      %mul3A_131 = arith.constant 2.000000e+00 : f32
      %mul3A_132 = vector.broadcast %mul3A_131 : f32 to vector<16xf32>
      %mul3A_133 = arith.mulf %mul3A_132, %div3A : vector<16xf32>
      %mul3A_134 = arith.mulf %mul3A_133, %add3A_127 : vector<16xf32>
      %add3A_135 = arith.addf %mul3A_130, %mul3A_134 : vector<16xf32>
      %sub3A_136 = arith.constant -13.8155107 : f32
      %sub3A_137 = vector.broadcast %sub3A_136 : f32 to vector<16xf32>
      %sub3A_138 = arith.subf %sub3A_137, %add3A_135 : vector<16xf32>
      %swap3A_139 = arith.constant 0 : index
      %swap3A_140 = tpu.vector_load %arg7[%swap3A_139] {strides = array<i32>} : memref<1024xf32, #tpu.memory_space<vmem>>, vector<16xf32>,
      tpu.vector_store %arg7[%swap3A_139], %sub3A_138 {strides = array<i32>} : memref<1024xf32, #tpu.memory_space<vmem>>, vector<16xf32>,
      "tpu.region"() ({
        %run_scoped3A = tpu.sem_alloc : memref<!tpu.dma_semaphore, #tpu.memory_space<semaphore_mem>>
        %dma_start3A_141 = arith.constant 0 : i32
        %dma_start3A_142 = tpu.memref_slice %arg7[%dma_start3A_141] : memref<1024xf32, #tpu.memory_space<vmem>> -> memref<16xf32, #tpu.memory_space<vmem>>
        %dma_start3A_143 = arith.constant 0 : i32
        %dma_start3A_144 = tpu.memref_slice %arg7[%dma_start3A_143] : memref<1024xf32, #tpu.memory_space<vmem>> -> memref<16xf32, #tpu.memory_space<vmem>>
        tpu.enqueue_dma source(%dma_start3A_144 : memref<16xf32, #tpu.memory_space<vmem>>) target(%arg4 : memref<16xf32, #tpu.memory_space<hbm>>) target_semaphore(%run_scoped3A : memref<!tpu.dma_semaphore, #tpu.memory_space<semaphore_mem>>)
        %dma_wait3A_145 = arith.constant 0 : i32
        %dma_wait3A_146 = tpu.memref_slice %arg7[%dma_wait3A_145] : memref<1024xf32, #tpu.memory_space<vmem>> -> memref<16xf32, #tpu.memory_space<vmem>>
        %dma_wait3A_147 = arith.constant 0 : i32
        %dma_wait3A_148 = tpu.memref_slice %arg7[%dma_wait3A_147] : memref<1024xf32, #tpu.memory_space<vmem>> -> memref<16xf32, #tpu.memory_space<vmem>>
        tpu.wait_dma2 semaphore(%run_scoped3A : memref<!tpu.dma_semaphore, #tpu.memory_space<semaphore_mem>>) src(%dma_wait3A_148 : memref<16xf32, #tpu.memory_space<vmem>>) dst(%arg4 : memref<16xf32, #tpu.memory_space<hbm>>)
        tpu.yield
      }) : () -> ()
    } else {
    }
    return
  }
}

module attributes {stable_mosaic.version = 14 : i64} {
  func.func @_node_grad_body(%arg0: i32, %arg1: memref<3x16384xf32, #tpu.memory_space<vmem>>, %arg2: memref<16x16384xf32, #tpu.memory_space<vmem>>, %arg3: memref<19x64xf32, #tpu.memory_space<vmem>>, %arg4: memref<1x64xf32, #tpu.memory_space<vmem>>, %arg5: memref<64x1xf32, #tpu.memory_space<vmem>>, %arg6: memref<1x1x16384xf32, #tpu.memory_space<vmem>>) attributes {dimension_semantics = [#tpu.dimension_semantics<parallel>], iteration_bounds = array<i64: 2>, scalar_prefetch = 0 : i64, scratch_operands = 0 : i64, tpu.core_type = #tpu.core_type<tc>, window_params = [{transform_indices = @transform_0, window_bounds = array<i64: 3, 16384>}, {transform_indices = @transform_1, window_bounds = array<i64: 16, 16384>}, {pipeline_mode = #tpu.pipeline_mode<synchronous>, transform_indices = @transform_2, window_bounds = array<i64: 19, 64>}, {pipeline_mode = #tpu.pipeline_mode<synchronous>, transform_indices = @transform_3, window_bounds = array<i64: 1, 64>}, {pipeline_mode = #tpu.pipeline_mode<synchronous>, transform_indices = @transform_4, window_bounds = array<i64: 64, 1>}, {transform_indices = @transform_5, window_bounds = array<i64: 1, 1, 16384>}]} {
    %get3A = arith.constant 0 : index
    %get3A_0 = arith.constant 0 : index
    %get3A_1 = vector.load %arg3[%get3A, %get3A_0] : memref<19x64xf32, #tpu.memory_space<vmem>>, vector<19x64xf32>
    %slice3A = vector.extract_strided_slice %get3A_1 {offsets = [0, 0], sizes = [3, 64], strides = [1, 1]} : vector<19x64xf32> to vector<3x64xf32>
    %slice3A_2 = vector.extract_strided_slice %get3A_1 {offsets = [3, 0], sizes = [16, 64], strides = [1, 1]} : vector<19x64xf32> to vector<16x64xf32>
    %get3A_3 = arith.constant 0 : index
    %get3A_4 = arith.constant 0 : index
    %get3A_5 = vector.load %arg4[%get3A_3, %get3A_4] : memref<1x64xf32, #tpu.memory_space<vmem>>, vector<1x64xf32>
    %transpose3A = tpu.transpose %get3A_5, [1, 0] : vector<1x64xf32> -> vector<64x1xf32>
    %get3A_6 = arith.constant 0 : index
    %get3A_7 = arith.constant 0 : index
    %get3A_8 = vector.load %arg1[%get3A_6, %get3A_7] : memref<3x16384xf32, #tpu.memory_space<vmem>>, vector<3x16384xf32>
    %dot_general3A = arith.constant dense<0.000000e+00> : vector<64x16384xf32>
    %dot_general3A_9 = tpu.matmul %slice3A, %get3A_8, %dot_general3A {dimension_numbers = #tpu.dot_dimension_numbers<[0], [0], [1], [1], [0, 1, 1, 1], [], []>, transpose_lhs_hint = false} : vector<3x64xf32>, vector<3x16384xf32>, vector<64x16384xf32> -> vector<64x16384xf32>
    %get3A_10 = arith.constant 0 : index
    %get3A_11 = arith.constant 0 : index
    %get3A_12 = vector.load %arg2[%get3A_10, %get3A_11] : memref<16x16384xf32, #tpu.memory_space<vmem>>, vector<16x16384xf32>
    %dot_general3A_13 = arith.constant dense<0.000000e+00> : vector<64x16384xf32>
    %dot_general3A_14 = tpu.matmul %slice3A_2, %get3A_12, %dot_general3A_13 {dimension_numbers = #tpu.dot_dimension_numbers<[0], [0], [1], [1], [0, 1, 1, 1], [], []>, transpose_lhs_hint = false} : vector<16x64xf32>, vector<16x16384xf32>, vector<64x16384xf32> -> vector<64x16384xf32>
    %add3A = arith.addf %dot_general3A_9, %dot_general3A_14 : vector<64x16384xf32>
    %add3A_15 = vector.broadcast %transpose3A : vector<64x1xf32> to vector<64x16384xf32>
    %add3A_16 = arith.addf %add3A, %add3A_15 : vector<64x16384xf32>
    %tanh3A = math.tanh %add3A_16 : vector<64x16384xf32>
    %mul3A = arith.mulf %tanh3A, %tanh3A : vector<64x16384xf32>
    %sub3A = arith.constant 1.000000e+00 : f32
    %sub3A_17 = vector.broadcast %sub3A : f32 to vector<64x16384xf32>
    %sub3A_18 = arith.subf %sub3A_17, %mul3A : vector<64x16384xf32>
    %get3A_19 = arith.constant 0 : index
    %get3A_20 = arith.constant 0 : index
    %get3A_21 = vector.load %arg5[%get3A_19, %get3A_20] : memref<64x1xf32, #tpu.memory_space<vmem>>, vector<64x1xf32>
    %mul3A_22 = vector.broadcast %get3A_21 : vector<64x1xf32> to vector<64x16384xf32>
    %mul3A_23 = arith.mulf %sub3A_18, %mul3A_22 : vector<64x16384xf32>
    %dot_general3A_24 = arith.constant dense<0.000000e+00> : vector<3x16384xf32>
    %dot_general3A_25 = tpu.matmul %slice3A, %mul3A_23, %dot_general3A_24 {dimension_numbers = #tpu.dot_dimension_numbers<[1], [0], [0], [1], [0, 0, 1, 1], [], []>, transpose_lhs_hint = false} : vector<3x64xf32>, vector<64x16384xf32>, vector<3x16384xf32> -> vector<3x16384xf32>
    %mul3A_26 = arith.mulf %dot_general3A_25, %dot_general3A_25 : vector<3x16384xf32>
    %reduce_sum3A = arith.constant dense<0.000000e+00> : vector<16384xf32>
    %reduce_sum3A_27 = vector.multi_reduction <add>, %mul3A_26, %reduce_sum3A [0] : vector<3x16384xf32> to vector<16384xf32>
    %broadcast_in_dim3A = vector.shape_cast %reduce_sum3A_27 : vector<16384xf32> to vector<1x16384xf32>
    %broadcast_in_dim3A_28 = vector.shape_cast %broadcast_in_dim3A : vector<1x16384xf32> to vector<1x1x16384xf32>
    %swap3A = arith.constant 0 : index
    %swap3A_29 = arith.constant 0 : index
    %swap3A_30 = arith.constant 0 : index
    %swap3A_31 = vector.load %arg6[%swap3A, %swap3A_29, %swap3A_30] : memref<1x1x16384xf32, #tpu.memory_space<vmem>>, vector<1x1x16384xf32>
    tpu.vector_store %arg6[%swap3A, %swap3A_29, %swap3A_30], %broadcast_in_dim3A_28 {strides = array<i32>} : memref<1x1x16384xf32, #tpu.memory_space<vmem>>, vector<1x1x16384xf32>,
    return
  }
  func.func @transform_0(%arg0: i32) -> (i32, i32) {
    %c0_i32 = arith.constant 0 : i32
    %c0_i32_0 = arith.constant 0 : i32
    return %c0_i32, %arg0 : i32, i32
  }
  func.func @transform_1(%arg0: i32) -> (i32, i32) {
    %c0_i32 = arith.constant 0 : i32
    %c0_i32_0 = arith.constant 0 : i32
    return %c0_i32, %arg0 : i32, i32
  }
  func.func @transform_2(%arg0: i32) -> (i32, i32) {
    %c0_i32 = arith.constant 0 : i32
    %c0_i32_0 = arith.constant 0 : i32
    %c0_i32_1 = arith.constant 0 : i32
    return %c0_i32, %c0_i32_0 : i32, i32
  }
  func.func @transform_3(%arg0: i32) -> (i32, i32) {
    %c0_i32 = arith.constant 0 : i32
    %c0_i32_0 = arith.constant 0 : i32
    %c0_i32_1 = arith.constant 0 : i32
    return %c0_i32, %c0_i32_0 : i32, i32
  }
  func.func @transform_4(%arg0: i32) -> (i32, i32) {
    %c0_i32 = arith.constant 0 : i32
    %c0_i32_0 = arith.constant 0 : i32
    %c0_i32_1 = arith.constant 0 : i32
    return %c0_i32, %c0_i32_0 : i32, i32
  }
  func.func @transform_5(%arg0: i32) -> (i32, i32, i32) {
    %c0_i32 = arith.constant 0 : i32
    %c0_i32_0 = arith.constant 0 : i32
    %c0_i32_1 = arith.constant 0 : i32
    return %arg0, %c0_i32, %c0_i32_0 : i32, i32, i32
  }
}

</mosaic_0001>

<sc_bundles>
// kernel: kernel.4.cloned.1.call-start
scs
__scs_entry_jumppad:
0x0: {  	(pc) =	sbr.rel $0x88, $3  }
0x1: {  	(tag) =	ssettag $0x0;
	lr =	simm.s32 $0x1  }
0x2: {  	[smem:$0x3F9B] =	sst lr;
	_ =	strace $0xD0000000  }
0x3: {  	_ = 	snop  }
0x4: {  	_ = 	snop  }
0x5: {  	_ = 	snop  }
0x6: {  	_ = 	snop  }
0x7: {  	_ = 	snop  }
__scs_overlays_trampoline_lowered:
0x8: {  	[smem:$0x3FAA] =	sst s0  }
0x9: {  	[smem:$0x3FAB] =	sst s1  }
0xa: {  	[smem:$0x3FAC] =	sst s2  }
0xb: {  	[smem:$0x3FAD] =	sst s3  }
0xc: {  	[smem:$0x3FAE] =	sst s4  }
0xd: {  	[smem:$0x3FAF] =	sst s5  }
0xe: {  	[smem:$0x3FB0] =	sst s6  }
0xf: {  	[smem:$0x3FB1] =	sst s7  }
0x10: {  	[smem:$0x3FB2] =	sst s8  }
0x11: {  	[smem:$0x3FB3] =	sst s9;
	s0 =	simm.s32 @!p0 $0x0  }
0x12: {  	s1 =	sld [smem:$0x3F99];
	s0 =	simm.s32 @p0 $0x1  }
0x13: {  	[smem:$0x3FB4] =	sst s0;
	s0 =	simm.s32 @!p1 $0x0  }
0x14: {  	s2 =	sld [smem:$0x3F98];
	s0 =	simm.s32 @p1 $0x1  }
0x15: {  	[smem:$0x3FB5] =	sst s0;
	s0 =	simm.s32 @!p2 $0x0  }
0x16: {  	s3 =	sld [smem:$0x3FDB];
	s0 =	simm.s32 @p2 $0x1  }
0x17: {  	s4 =	simm.s32 $0x1BF5;
	[smem:$0x3FB7] =	sst s0  }
0x18: {  	s0 =	sld [smem:$0x3F9A];
	_ =	swait.ge [sflag:s4], $0x0  }
0x19: {  	s7 =	sld [smem:$0x3F9B]  }
0x1a: {  	s8 =	sadd.s32 $0xFFFFE003, lr  }
0x1b: {  	s9 =	sadd.s32 $0xFFFFFEF7, lr;
	s5 =	simm.s32 $0xFFFFFFFF;
	p2 =	slt.u32 s8, $0xFFFFF086  }
0x1c: {  	p1 =	slt.u32 s9, $0xF7A;
	s5 =	simm.s32 @!p2 $0x0  }
0x1d: {  	s5 =	simm.s32 @p1 $0x1;
	p0 =	seq.s32 s7, s2  }
0x1e: {  	s7 =	smul.u32 @!p0 $0xF7A, s2;
	p2 =	seq.s32 @!p0 s5, $0x0  }
0x1f: {  	s9 =	smul.u32 $0xF7A, s1;
	s8 =	simm.s32 @!p0 $0x1BF5;
	p2 =	por !p2, p0  }
0x20: {  	[sflag:s8] =	ssyncset.s32 @!p0 $0xFFFFF086;
	s6 =	sadd.s32 @!p0 s3, s7;
	s7 =	simm.s32 @!p0 $0x108  }
0x21: {  	s3 =	sadd.s32 s3, s9;
	s6 =	sadd.s32 @!p0 $0x88, s6;
	s7 =	simm.s32 @p2 $0x1082  }
0x22: {  	[simem:s7], [sflag:s8] =	dma.local @!p0 [hbm:s6], $0xF7A  }
0x23: {  	s9 =	sor.u32 $0xD0000000, s2;
	s6 =	simm.s32 $0x108;
	_ =	swait.ge @!p0 [sflag:s8], $0x0  }
0x24: {  	s3 =	sadd.s32 $0x88, s3;
	s6 =	simm.s32 @!p1 $0x1082;
	[sflag:s4] =	ssyncset.s32 $0xFFFFF086  }
0x25: {  	[simem:s6], [sflag:s4] =	dma.local [hbm:s3], $0xF7A  }
0x26: {  	[smem:$0x3F9B] =	sst s1;
	(tag) =	ssettag s2;
	_ =	strace s9  }
0x27: {  	s1 =	sld [smem:$0x3FAB]  }
0x28: {  	s2 =	sld [smem:$0x3FAC]  }
0x29: {  	s4 =	sld [smem:$0x3FAE]  }
0x2a: {  	p0 =	seq.s32 s5, $0x0;
	s5 =	sld [smem:$0x3FAF]  }
0x2b: {  	s6 =	sld [smem:$0x3FB0]  }
0x2c: {  	s7 =	sld [smem:$0x3FB1]  }
0x2d: {  	s3 =	simm.s32 $0x108;
	s8 =	sld [smem:$0x3FB2]  }
0x2e: {  	s3 =	simm.s32 @!p0 $0x1082;
	s9 =	sld [smem:$0x3FB3]  }
0x2f: {  	lr =	sadd.s32 s0, s3;
	s0 =	sld [smem:$0x3FAA]  }
0x30: {  	s3 =	sld [smem:$0x3FAD]  }
0x31: {  	[smem:$0x3FB6] =	sst s10  }
0x32: {  	s10 =	sld [smem:$0x3FB4];
	_ =	sdelay $0x3  }
0x33: {  	p0 =	seq.s32 s10, $0x1;
	s10 =	sld [smem:$0x3FB6];
	_ =	sdelay $0x3  }
0x34: {  	[smem:$0x3FB6] =	sst s10  }
0x35: {  	s10 =	sld [smem:$0x3FB5];
	_ =	sdelay $0x3  }
0x36: {  	p1 =	seq.s32 s10, $0x1;
	s10 =	sld [smem:$0x3FB6];
	_ =	sdelay $0x3  }
0x37: {  	[smem:$0x3FB6] =	sst s10  }
0x38: {  	s10 =	sld [smem:$0x3FB7]  }
0x39: {  	_ = 	snop;
	(pc) =	sbr.ind lr, $3  }
0x3a: {  	_ = 	snop  }
0x3b: {  	_ = 	snop  }
0x3c: {  	p2 =	seq.s32 s10, $0x1;
	s10 =	sld [smem:$0x3FB6]  }
0x3d: {  	_ =	shalt  }
0x3e: {  	_ =	shalt  }
0x3f: {  	_ =	shalt  }
0x40: {  	_ =	shalt  }
0x41: {  	_ =	shalt  }
0x42: {  	_ =	shalt  }
0x43: {  	_ =	shalt  }
0x44: {  	_ =	shalt  }
0x45: {  	_ =	shalt  }
0x46: {  	_ =	shalt  }
0x47: {  	_ =	shalt  }
0x48: {  	_ =	shalt  }
0x49: {  	_ =	shalt  }
0x4a: {  	_ =	shalt  }
0x4b: {  	_ =	shalt  }
0x4c: {  	_ =	shalt  }
0x4d: {  	_ =	shalt  }
0x4e: {  	_ =	shalt  }
0x4f: {  	_ =	shalt  }
0x50: {  	_ =	shalt  }
0x51: {  	_ =	shalt  }
0x52: {  	_ =	shalt  }
0x53: {  	_ =	shalt  }
0x54: {  	_ =	shalt  }
0x55: {  	_ =	shalt  }
0x56: {  	_ =	shalt  }
0x57: {  	_ =	shalt  }
0x58: {  	_ =	shalt  }
0x59: {  	_ =	shalt  }
0x5a: {  	_ =	shalt  }
0x5b: {  	_ =	shalt  }
0x5c: {  	_ =	shalt  }
0x5d: {  	_ =	shalt  }
0x5e: {  	_ =	shalt  }
0x5f: {  	_ =	shalt  }
0x60: {  	_ =	shalt  }
0x61: {  	_ =	shalt  }
0x62: {  	_ =	shalt  }
0x63: {  	_ =	shalt  }
0x64: {  	_ =	shalt  }
0x65: {  	_ =	shalt  }
0x66: {  	_ =	shalt  }
0x67: {  	_ =	shalt  }
0x68: {  	_ =	shalt  }
0x69: {  	_ =	shalt  }
0x6a: {  	_ =	shalt  }
0x6b: {  	_ =	shalt  }
0x6c: {  	_ =	shalt  }
0x6d: {  	_ =	shalt  }
0x6e: {  	_ =	shalt  }
0x6f: {  	_ =	shalt  }
0x70: {  	_ =	shalt  }
0x71: {  	_ =	shalt  }
0x72: {  	_ =	shalt  }
0x73: {  	_ =	shalt  }
0x74: {  	_ =	shalt  }
0x75: {  	_ =	shalt  }
0x76: {  	_ =	shalt  }
0x77: {  	_ =	shalt  }
0x78: {  	_ =	shalt  }
0x79: {  	_ =	shalt  }
0x7a: {  	_ =	shalt  }
0x7b: {  	_ =	shalt  }
0x7c: {  	_ =	shalt  }
0x7d: {  	_ =	shalt  }
0x7e: {  	_ =	shalt  }
0x7f: {  	_ =	shalt  }
0x80: {  	_ =	shalt  }
0x81: {  	_ =	shalt  }
0x82: {  	_ =	shalt  }
0x83: {  	_ =	shalt  }
0x84: {  	_ =	shalt  }
0x85: {  	_ =	shalt  }
0x86: {  	_ =	shalt  }
0x87: {  	_ =	shalt  }
.Lfunc_end0:
.L_simem_size_0:
called_computation_lowered:
.L_overlay_start_0:
0x88: {  	s0 =	sld [smem:$0x3FD9]  }
0x89: {  	s1 =	sld [smem:$0x3FFE];
	_ =	sdelay $0x3  }
0x8a: {  	s0 =	sadd.s32 s1, s0  }
0x8b: {  	[smem:$0x3FC2] =	sst s0  }
0x8c: {  	_ = 	snop  }
0x8d: {  	s0 =	sld [smem:$0x3FC7]  }
0x8e: {  	s16 =	sld [smem:$0x3FD0];
	(tm) =	ssettm $0x1  }
0x8f: {  	s2 =	sld [smem:$0x3FFB];
	_ =	sdelay $0x3  }
0x90: {  	_ =	strace s2  }
0x91: {  	s2 =	sld [smem:$0x3FFC];
	_ =	sdelay $0x3  }
0x92: {  	_ =	strace s2  }
0x93: {  	s2 =	sld [smem:$0x3FFD];
	_ =	sdelay $0x3  }
0x94: {  	_ =	strace s2  }
0x95: {  	_ =	strace $0x8FFFFFFF  }
0x96: {  	s17 =	sld [smem:$0x3FDB];
	_ =	sdelay $0x1  }
0x97: {  	s3 =	simm.s32 $_scs_section_size  }
0x98: {  	s4 =	simm.s32 $_size__tile_overlayer_lowered;
	s5 =	simm.s32 $_tile_overlayer_lowered  }
0x99: {  	s20 =	simm.s32 $0x1BFF;
	s19 =	sshll.u32 s5, $0x1;
	s2 =	sadd.s32 s3, s17  }
0x9a: {  	s6 =	simm.s32 $0x0;
	s18 =	sshll.u32 s4, $0x1;
	s4 =	sadd.s32 s19, s2  }
0x9b: {  	[timem:s6], [sflag:s20] =	dma.local [hbm:s4], s18  }
0x9c: {  	_ =	swait.ge [sflag:s20], s18  }
0x9d: {  	s3 =	ssub.s32 $0x0, s18;
	[sflag:s20] =	ssyncset.done $0x0  }
0x9e: {  	[sflag:s20] =	ssyncadd.s32 s3;
	_ =	sdelay $0x1  }
0x9f: {  	s21 =	simm.s32 $0x1B8B  }
0xa0: {  	_ =	swait.ge [sflag:s21], $0x1  }
0xa1: {  	[sflag:s21] =	ssyncset.done $0x0  }
0xa2: {  	s23 =	simm.s32 $0x1B8E;
	s22 =	sld [smem:$0x3FFE];
	[sflag:s21] =	ssyncadd.s32 $0xFFFFFFFF  }
0xa3: {  	s24 =	simm.s32 $execute0_lowered;
	[smem:$0x3FD2] =	sst s23  }
0xa4: {  	s4 =	sshll.u32 s24, $0x1;
	_ =	strace $0x80000046;
	[dreg:$0x1] =	wrdreg $0xFFFFFFFF  }
0xa5: {  	s25 =	simm.s32 $_size_execute0_lowered;
	s2 =	sadd.s32 s2, s4;
	[dreg:$0x0] =	wrdreg $0x0  }
0xa6: {  	s4 =	sshll.u32 s25, $0x1;
	[dreg:$0x2] =	wrdreg s2  }
0xa7: {  	[dreg:$0x3] =	wrdreg s4  }
0xa8: {  	[dreg:$0x4] =	wrdreg $0xC0  }
0xa9: {  	_ =	task [dreg:s6], $0x5FFFF  }
0xaa: {  	[dreg:$0x1] =	wrdreg $0xFFFFFFFF  }
0xab: {  	[dreg:$0x0] =	wrdreg $0x60  }
0xac: {  	[dreg:$0x2] =	wrdreg s22  }
0xad: {  	[dreg:$0x3] =	wrdreg s0  }
0xae: {  	[dreg:$0x4] =	wrdreg s16  }
0xaf: {  	[dreg:$0x5] =	wrdreg $0x14000  }
0xb0: {  	[dreg:$0x6] =	wrdreg $0x9  }
0xb1: {  	_ =	task.clear_ibuf [dreg:s6], $0x7FFFF;
	_ =	strace $0x90000046  }
0xb2: {  	s26 =	simm.s32 $0x9;
	_ =	strace $0x80000048  }
0xb3: {  	_ =	swait.ge [sflag:s26], $0x1  }
0xb4: {  	[sflag:s26] =	ssyncadd.s32 $0xFFFFFFFF  }
0xb5: {  	_ =	strace $0x90000048  }
0xb6: {  	_ =	sfence  }
0xb7: {  	s28 =	sld [smem:$0x0];
	_ =	sdelay $0x1  }
0xb8: {  	s29 =	srdreg.scid  }
0xb9: {  	s30 =	sshll.u32 s29, $0xD;
	s31 =	sshrl.u32 s29, $0x2  }
0xba: {  	s1 =	sand.u32 $0x1, s29;
	s2 =	sand.u32 $0x4000, s30;
	s0 =	sadd.s32 s31, s28  }
0xbb: {  	s1 =	sor.u32 s2, s1;
	s0 =	sshll.u32 s0, $0x11  }
0xbc: {  	s0 =	sor.u32 s0, s1  }
0xbd: {  	s0 =	sadd.s32 $0x8F2B, s0  }
0xbe: {  	[sflag:s0] =	ssyncadd.remote.s32 $0x1  }
0xbf: {  	_ =	sfence.sel $0xFFFF  }
0xc0: {  	[dreg:$0x0] =	wrdreg $0xFFFFFFFF;
	(pc) =	sbr.abs _section_cstart, $3  }
0xc1: {  	[dreg:$0x1] =	wrdreg $0xFFFFFFFF  }
0xc2: {  	_ =	task.clear_ibuf [dreg:s6], $0x2FFFF;
	_ =	strace $0x9FFFFFFF  }
0xc3: {  	(tm) =	ssettm $0x7FFFFFFF  }
tec
execute0_lowered:
.L_overlay_start_1:
0x0: {  	(tag) =	ssettag $0x1  }
0x1: {  	s4 =	rddreg [dreg:$0x0]  }
0x2: {  	s5 =	rddreg [dreg:$0x1]  }
0x3: {  	s1 =	rddreg [dreg:$0x2]  }
0x4: {  	s2 =	rddreg [dreg:$0x3];
	s3 =	stileid.u32  }
0x5: {  	s0 =	rddreg [dreg:$0x4];
	s6 =	simm.s32 $0x0;
	s7 =	sshll.u32 s3, $0x8  }
0x6: {  	[smem:$0x7FF] =	sst s6;
	s4 =	sadd.s32 s7, s4  }
0x7: {  	s31 =	simm.s32 $0x800;
	_ =	strace $0x80000047;
	s4 =	sadd.s32 $0xE00, s4  }
0x8: {  	[tilespmem:s6], [sflag:$0x1] =	stream.linear.gather [hbm4b:s4+s6], $0x800, $0x38;
	[tilespmem:$0x1410] =	vst v63  }
0x9: {  	s30 =	sadd.s32 s5, s7;
	s5 =	simm.s32 $0x0;
	s4 =	simm.s32 $0x40  }
0xa: {  	v0 =	vimm.f32 $0.0e+00;
	[tilespmem:s31], [sflag:$0x2] =	stream.linear.gather [hbm4b:s30+s6], $0x800, $0x38;
	[tilespmem:$0x1410] =	vst v63  }
.LBB2_1:
0xb: {  	p0 =	sne.s32 s4, $0xFC0;
	[tilespmem:s5+$0x1000] =	vst v0;
	s5 =	smov.u32 s4;
	s4 =	sadd.s32 $0x40, s4  }
.Ltmp0:
0xc: {  	(pc) =	sbr.rel @p0 .LBB2_1-.Ltmp0, $2  }
0xd: {  	_ =	sdelay $0x2  }
0xe: {  	s5 =	sshra.s32 s5, $0x2  }
0xf: {  	[tilespmem:s5+$0x1000] =	vst v0;
	s4 =	simm.s32 $0x1  }
0x10: {  	_ =	swait.ge [sflag:s4], $0x800  }
0x11: {  	[sflag:s4] =	ssyncset.done $0x0  }
0x12: {  	s31 =	simm.s32 $0x2;
	v0 =	vlaneseq.u32;
	[sflag:s4] =	ssyncadd.s32 $0xFFFFF800  }
0x13: {  	v0 =	vmul.u32 $0x10, v0;
	_ =	swait.ge [sflag:s31], $0x800  }
0x14: {  	[sflag:s31] =	ssyncset.done $0x0  }
0x15: {  	s5 =	simm.s32 $0x1000;
	s4 =	simm.s32 $0x0;
	v1 =	vor.u32 $0x100, v0;
	v2 =	vor.u32 $0x200, v0;
	v3 =	vor.u32 $0x300, v0;
	[sflag:s31] =	ssyncadd.s32 $0xFFFFF800  }
.LBB2_3:
0x16: {  	s6 =	sshra.s32 s4, $0x2  }
0x17: {  	v4 =	vld [tilespmem:s6+$0x800];
	_ =	sdelay $0x4  }
0x18: {  	v5 =	vld [tilespmem:s6+$0x0];
	v4 =	vadd.s32 v0, v4;
	_ =	sdelay $0x4  }
0x19: {  	[tilespmem:v4+s5+$0x0] =	vst.idx.add.f32.msk $0xffff, v5  }
0x1a: {  	v4 =	vld [tilespmem:s6+$0x810];
	_ =	sdelay $0x4  }
0x1b: {  	v5 =	vld [tilespmem:s6+$0x10];
	v4 =	vadd.s32 v1, v4;
	_ =	sdelay $0x4  }
0x1c: {  	[tilespmem:v4+s5+$0x0] =	vst.idx.add.f32.msk $0xffff, v5  }
0x1d: {  	v4 =	vld [tilespmem:s6+$0x820];
	_ =	sdelay $0x4  }
0x1e: {  	v5 =	vld [tilespmem:s6+$0x20];
	v4 =	vadd.s32 v2, v4;
	_ =	sdelay $0x4  }
0x1f: {  	[tilespmem:v4+s5+$0x0] =	vst.idx.add.f32.msk $0xffff, v5  }
0x20: {  	v4 =	vld [tilespmem:s6+$0x830];
	_ =	sdelay $0x4  }
0x21: {  	p0 =	sne.s32 s4, $0x1F00;
	v5 =	vld [tilespmem:s6+$0x30];
	v4 =	vadd.s32 v3, v4  }
.Ltmp1:
0x22: {  	_ = 	snop;
	(pc) =	sbr.rel @p0 .LBB2_3-.Ltmp1, $2  }
0x23: {  	_ =	sdelay $0x2  }
0x24: {  	s4 =	sadd.s32 $0x100, s4;
	[tilespmem:v4+s5+$0x0] =	vst.idx.add.f32.msk $0xffff, v5  }
0x25: {  	v0 =	vld [tilespmem:$0x1000];
	s5 =	simm.s32 $0x10  }
0x26: {  	s4 =	simm.s32 $0x80;
	v1 =	vld [tilespmem:s5+$0x1000]  }
.LBB2_5:
0x27: {  	p0 =	sne.s32 s4, $0xFC0  }
.Ltmp2:
0x28: {  	_ = 	snop;
	(pc) =	sbr.rel @p0 .LBB2_5-.Ltmp2, $3  }
0x29: {  	_ =	sdelay $0x1  }
0x2a: {  	s5 =	sshra.s32 s4, $0x2;
	s4 =	sadd.s32 $0x40, s4;
	v0 =	vadd.f32 v1, v0  }
0x2b: {  	v1 =	vld [tilespmem:s5+$0x1000]  }
0x2c: {  	_ =	sdelay $0x3  }
0x2d: {  	v0 =	vadd.f32 v1, v0  }
0x2e: {  	s4 =	sshll.u32 s3, $0x4  }
0x2f: {  	s5 =	simm.s32 $0x1000;
	s4 =	sadd.s32 s4, s2;
	[tilespmem:$0x1000] =	vst v0  }
0x30: {  	[spmem:s4] =	stream.linear.scatter [tilespmem:s5], [sflag:$0x3], $0x10, $0x38;
	[tilespmem:$0x1410] =	vst v63  }
0x31: {  	s4 =	simm.s32 $0x3  }
0x32: {  	_ =	swait.ge [sflag:s4], $0x10  }
0x33: {  	[sflag:s4] =	ssyncset.done $0x0  }
0x34: {  	[sflag:s4] =	ssyncadd.s32 $0xFFFFFFF0  }
0x35: {  	p0 =	sne.s32 s3, $0x0;
	[bflag:$0x0] =	sbarrier.arrive $0xFFFF  }
0x36: {  	_ =	sfence.sel @p0 $0x180000  }
0x37: {  	[bflag:$0x0] =	sbarrier.arrive @p0 $0xFFFF  }
0x38: {  	_ =	strace @p0 $0x90000047  }
0x39: {  	[bflag:$0x2] =	sbarrier.arrive @p0 $0xFFFF  }
0x3a: {  	_ =	shalt @p0  }
.LBB2_7:
0x3b: {  	[tilespmem:s5], [sflag:$0x3] =	stream.linear.gather [spmem:s2], $0x100, $0x38;
	[tilespmem:$0x1410] =	vst v63  }
0x3c: {  	_ =	swait.ge [sflag:s4], $0x100  }
0x3d: {  	[sflag:s4] =	ssyncset.done $0x0  }
0x3e: {  	[sflag:s4] =	ssyncadd.s32 $0xFFFFFF00  }
0x3f: {  	v0 =	vld [tilespmem:$0x1000]  }
0x40: {  	v1 =	vld [tilespmem:$0x1010];
	_ =	sdelay $0x1  }
0x41: {  	v2 =	vld [tilespmem:$0x1020];
	_ =	sdelay $0x1  }
0x42: {  	v3 =	vld [tilespmem:$0x1030]  }
0x43: {  	v0 =	vadd.f32 v1, v0  }
0x44: {  	v49 =	vld [tilespmem:$0x1040]  }
0x45: {  	v0 =	vadd.f32 v2, v0  }
0x46: {  	v50 =	vld [tilespmem:$0x1050]  }
0x47: {  	v0 =	vadd.f32 v3, v0  }
0x48: {  	v51 =	vld [tilespmem:$0x1060]  }
0x49: {  	v0 =	vadd.f32 v49, v0  }
0x4a: {  	v52 =	vld [tilespmem:$0x1070]  }
0x4b: {  	v0 =	vadd.f32 v50, v0  }
0x4c: {  	v53 =	vld [tilespmem:$0x1080]  }
0x4d: {  	v0 =	vadd.f32 v51, v0  }
0x4e: {  	v54 =	vld [tilespmem:$0x1090]  }
0x4f: {  	v0 =	vadd.f32 v52, v0  }
0x50: {  	v55 =	vld [tilespmem:$0x10A0]  }
0x51: {  	v0 =	vadd.f32 v53, v0  }
0x52: {  	v56 =	vld [tilespmem:$0x10B0]  }
0x53: {  	v0 =	vadd.f32 v54, v0  }
0x54: {  	v57 =	vld [tilespmem:$0x10C0]  }
0x55: {  	v0 =	vadd.f32 v55, v0  }
0x56: {  	v58 =	vld [tilespmem:$0x10D0]  }
0x57: {  	v0 =	vadd.f32 v56, v0  }
0x58: {  	v59 =	vld [tilespmem:$0x10E0]  }
0x59: {  	v0 =	vadd.f32 v57, v0  }
0x5a: {  	v60 =	vld [tilespmem:$0x10F0]  }
0x5b: {  	v0 =	vadd.f32 v58, v0;
	_ =	sdelay $0x1  }
0x5c: {  	v0 =	vadd.f32 v59, v0;
	_ =	sdelay $0x1  }
0x5d: {  	v0 =	vadd.f32 v60, v0;
	_ =	sdelay $0x1  }
0x5e: {  	v0 =	vadd.f32 $9.999999970e-07, v0;
	_ =	sdelay $0x1  }
0x5f: {  	v61 =	vand.u32 $0x7FFFFF, v0  }
0x60: {  	v1 =	vor.u32 $0x3F800000, v61  }
0x61: {  	v62 =	vmul.f32 $5.000000000e-01, v1  }
0x62: {  	vm0 =	vgt.f32 v1, $1.414213540e+00  }
0x63: {  	v1 =	vsel vm0, v62, v1  }
0x64: {  	v2 =	vadd.f32 $1.000000000e+00, v1;
	_ =	sdelay $0x1  }
0x65: {  	(erf) = vrcp.f32 v2;
	_ =	sdelay $0x7  }
0x66: {  	v1 =	vadd.f32 $-1.000000000e+00, v1  }
0x67: {  	v2 =	vpop (erf)  }
0x68: {  	v1 =	vmul.f32 v2, v1;
	_ =	sdelay $0x1  }
0x69: {  	v2 =	vmul.f32 v1, v1;
	_ =	sdelay $0x1  }
0x6a: {  	v63 =	vmul.f32 $1.111111120e-01, v2;
	_ =	sdelay $0x1  }
0x6b: {  	v3 =	vadd.f32 $1.428571490e-01, v63;
	_ =	sdelay $0x1  }
0x6c: {  	v3 =	vmul.f32 v3, v2;
	_ =	sdelay $0x1  }
0x6d: {  	v3 =	vadd.f32 $2.000000030e-01, v3;
	_ =	sdelay $0x1  }
0x6e: {  	v3 =	vmul.f32 v3, v2;
	_ =	sdelay $0x1  }
0x6f: {  	v4 =	vimm.s32 $0x0;
	v3 =	vadd.f32 $3.333333430e-01, v3  }
0x70: {  	v0 =	vshrl.u32 v0, $0x17;
	v4 =	vsel vm0, $0x1, v4  }
0x71: {  	v0 =	vadd.s32 v4, v0;
	v2 =	vmul.f32 v3, v2  }
0x72: {  	v0 =	vadd.s32 $0xFFFFFF81, v0  }
0x73: {  	v0 =	vcvt.s32.f32 v0;
	v1 =	vadd.f32 v1, v1;
	v2 =	vadd.f32 $1.000000000e+00, v2;
	_ =	sdelay $0x1  }
0x74: {  	v0 =	vmul.f32 $6.931471820e-01, v0;
	v1 =	vmul.f32 v2, v1;
	_ =	sdelay $0x1  }
0x75: {  	v0 =	vadd.f32 v1, v0;
	_ =	sdelay $0x1  }
0x76: {  	v0 =	vsub.f32 $-1.381551070e+01, v0;
	_ =	sdelay $0x1  }
0x77: {  	s31 =	simm.s32 $0x0;
	[tilespmem:$0x1000] =	vst v0  }
0x78: {  	[hbm4b:s1+s31] =	stream.linear.scatter [tilespmem:s5], [sflag:$0x3], $0x10, $0x38;
	[tilespmem:$0x1410] =	vst v63  }
0x79: {  	_ =	swait.ge [sflag:s4], $0x10  }
0x7a: {  	[sflag:s4] =	ssyncset.done $0x0  }
0x7b: {  	[sflag:s4] =	ssyncadd.s32 $0xFFFFFFF0  }
0x7c: {  	_ =	sfence.sel $0x180000  }
0x7d: {  	[bflag:$0x0] =	sbarrier.arrive $0xFFFF  }
0x7e: {  	_ =	strace $0x90000047  }
0x7f: {  	s0 =	sadd.s32 $0x100000, s0;
	[bflag:$0x2] =	sbarrier.arrive $0xFFFF  }
0x80: {  	[sflag:s0] =	ssyncadd.tile.s32 $0x1;
	_ =	shalt  }
.Lfunc_end2:
_tile_overlayer_lowered:
.L_overlay_start_2:
0x81: {  	(tag) =	ssettag $0x2  }
0x82: {  	s0 =	rddreg [dreg:$0x0];
	s2 =	stileid.u32  }
0x83: {  	s1 =	rddreg [dreg:$0x1];
	p0 =	sne.s32 s2, $0x0  }
0x84: {  	s3 =	rddreg [dreg:$0x2];
	[bflag:$0x3] =	sbarrier.arrive $0xFFFF;
	s2 =	simm.s32 @!p0 $0x1C03  }
0x85: {  	[timem:s3], [sflag:s2] =	dma.local @!p0 [hbm:s0], s1  }
0x86: {  	s0 =	simm.s32 @!p0 $0x3  }
0x87: {  	_ =	swait.ge @!p0 [sflag:s0], s1  }
0x88: {  	s1 =	ssub.s32 @!p0 $0x0, s1;
	[sflag:s0] =	ssyncset.done @!p0 $0x0  }
0x89: {  	[sflag:s0] =	ssyncadd.s32 @!p0 s1  }
0x8a: {  	[bflag:$0x3] =	sbarrier.arrive $0xFFFF  }
0x8b: {  	_ =	shalt  }

</sc_bundles>
